<compile_context>
chip_gen: v7x
topology: tpu7x:2x2x1
jax: 0.10.2.dev20260603
libtpu: 0.0.44.dev20260713+nightly
codegen_flags: <defaults>
</compile_context>

<pallas_src>
import functools

import jax
import jax.numpy as jnp
from jax import lax
from jax.experimental import pallas as pl
from jax.experimental.pallas import tpu as pltpu
from jax.experimental.pallas import tpu_sc as plsc

_SEGS = 64
_N = 50000
_D = 1024

_NW = 32
_CH = 1568
_CHL = _N - 31 * _CH
_KW = _CH // 16
_KWL = _CHL // 16

_BT = 2048
_NTB = -(-_N // _BT)


_sc_mesh = plsc.VectorSubcoreMesh(core_axis_name="c", subcore_axis_name="s")


@functools.partial(
    pl.kernel,
    out_type=jax.ShapeDtypeStruct((_NW * _SEGS,), jnp.float32),
    mesh=_sc_mesh,
    compiler_params=pltpu.CompilerParams(needs_layout_passes=False),
    scratch_types=[
        pltpu.VMEM((_CH,), jnp.int32),
        pltpu.VMEM((_SEGS,), jnp.float32),
    ],
)
def _sc_counts(batch_hbm, cnt_hbm, bv_v, cnt_v):
    cid = lax.axis_index("c")
    sid = lax.axis_index("s")
    wid = cid * 16 + sid
    base = wid * _CH
    last = wid == _NW - 1

    @pl.when(jnp.logical_not(last))
    def _():
        pltpu.sync_copy(batch_hbm.at[pl.ds(base, _CH)], bv_v)

    @pl.when(last)
    def _():
        pltpu.sync_copy(batch_hbm.at[pl.ds(31 * _CH, _CHL)],
                        bv_v.at[pl.ds(0, _CHL)])

    zeros16 = jnp.zeros((16,), jnp.float32)
    for c in range(_SEGS // 16):
        cnt_v[pl.ds(c * 16, 16)] = zeros16

    ones16 = jnp.ones((16,), jnp.float32)

    def body(k, carry):
        vidx = bv_v[pl.ds(k * 16, 16)]
        plsc.addupdate_scatter(cnt_v, [vidx], ones16)
        return carry

    nw = lax.select(last, _KWL, _KW)
    lax.fori_loop(0, nw, body, 0)

    pltpu.sync_copy(cnt_v, cnt_hbm.at[pl.ds(wid * _SEGS, _SEGS)])


def _tc_body(x_ref, batch_ref, w_ref, sums_ref):
    i = pl.program_id(0)

    @pl.when(i == 0)
    def _():
        sums_ref[...] = jnp.zeros_like(sums_ref)

    h2 = lax.dot_general(w_ref[...], x_ref[...], (((1,), (1,)), ((), ())),
                         preferred_element_type=jnp.float32)
    row = lax.broadcasted_iota(jnp.int32, (1, _BT), 1) + i * _BT
    h2 = jnp.where(row < _N, h2, 0.0)
    bidx = batch_ref[...][None, :]
    seg = lax.broadcasted_iota(jnp.int32, (_SEGS, _BT), 0)
    onehot = (bidx == seg).astype(jnp.float32)
    psum = lax.dot_general(h2, onehot, (((1,), (1,)), ((), ())),
                           preferred_element_type=jnp.float32)
    sums_ref[...] += psum


def _tc_sums(x, batch, W):
    return pl.pallas_call(
        _tc_body,
        grid=(_NTB,),
        in_specs=[
            pl.BlockSpec((_BT, _D), lambda i: (i, 0)),
            pl.BlockSpec((_BT,), lambda i: (i,)),
            pl.BlockSpec((2, _D), lambda i: (0, 0)),
        ],
        out_specs=pl.BlockSpec((2, _SEGS), lambda i: (0, 0)),
        out_shape=jax.ShapeDtypeStruct((2, _SEGS), jnp.float32),
        compiler_params=pltpu.CompilerParams(
            dimension_semantics=("arbitrary",)),
    )(x, batch, W)


def _combine_body(cntsc_ref, tcs_ref, b_ref, out_ref):
    c = cntsc_ref[pl.ds(0, _SEGS)]
    for t in range(1, _NW):
        c = c + cntsc_ref[pl.ds(t * _SEGS, _SEGS)]
    cnt = c[None, :]
    out_ref[...] = (tcs_ref[...] + cnt * b_ref[...]) / jnp.maximum(cnt, 1.0)


def _combine(cnt_sc, tc_sums, b2):
    return pl.pallas_call(
        _combine_body,
        in_specs=[
            pl.BlockSpec((_NW * _SEGS,), lambda: (0,)),
            pl.BlockSpec((2, _SEGS), lambda: (0, 0)),
            pl.BlockSpec((2, 1), lambda: (0, 0)),
        ],
        out_specs=pl.BlockSpec((2, _SEGS), lambda: (0, 0)),
        out_shape=jax.ShapeDtypeStruct((2, _SEGS), jnp.float32),
    )(cnt_sc, tc_sums, b2)


def kernel(x, edge_index, batch, W, b):
    cnt_sc = _sc_counts(batch)
    tc_sums = _tc_sums(x, batch, W)
    out2 = _combine(cnt_sc, tc_sums, b.reshape(2, 1))
    return out2.T

# --- scband reference (transcript-rebuilt; emitter-appended) ---
"""Pipeline reference for scband-model-14766097563893 (READ-ONLY COPY).

The authoritative reference and input builder live on the scoring server;
editing this copy changes nothing except your own understanding.
"""

import jax, jax.numpy as jnp
import numpy as np

NUM_GRAPHS = 64
N = 50000
E = 800000
D = 1024


def setup_inputs(seed: int = 0) -> dict:
    key = jax.random.key(seed)
    k1, k2, k3, k4 = jax.random.split(key, 4)
    x = jax.random.normal(k1, (N, D), dtype=jnp.float32)
    edge_index = jax.random.randint(k2, (2, E), 0, N, dtype=jnp.int32)
    batch = jnp.sort(jax.random.randint(k3, (N,), 0, NUM_GRAPHS, dtype=jnp.int32))
    W = jax.random.normal(k4, (2, D), dtype=jnp.float32) * 0.02
    b = jnp.zeros((2,), dtype=jnp.float32)
    return {"x": x, "edge_index": edge_index, "batch": batch, "W": W, "b": b}


def reference(x, edge_index, batch, W, b):
    # h = self.lin(x)  (torch_geometric.nn.Linear(1024, 2))
    h = x @ W.T + b
    # out = global_mean_pool(h, batch): segment mean over graph ids
    sums = jax.ops.segment_sum(h, batch, num_segments=NUM_GRAPHS)
    counts = jax.ops.segment_sum(jnp.ones((h.shape[0], 1), h.dtype), batch, num_segments=NUM_GRAPHS)
    out = sums / jnp.maximum(counts, 1.0)
    return out

if __name__ == "__main__":
    import jax
    _d = setup_inputs()
    print(jax.jit(kernel)(*tuple(_d.values())))

</pallas_src>

<mosaic_0001>
#map = affine_map<(d0, d1) -> (0)>
module attributes {stable_mosaic.version = 14 : i64} {
  func.func @_sc_counts(%arg0: i32, %arg1: i32, %arg2: memref<50000xi32, #tpu.memory_space<hbm>>, %arg3: memref<2048xf32, #tpu.memory_space<hbm>>, %arg4: memref<1568xi32, #tpu.memory_space<vmem>>, %arg5: memref<64xf32, #tpu.memory_space<vmem>>) attributes {dimension_semantics = [#tpu.dimension_semantics<core_parallel>, #tpu.dimension_semantics<subcore_parallel>], iteration_bounds = array<i64: 2, 16>, scalar_prefetch = 0 : i64, scratch_operands = 2 : i64, tpu.core_type = #tpu.core_type<sc_vector_subcore>, window_params = [{transform_indices = #map}, {transform_indices = #map}]} {
    %mul3A = arith.constant 16 : i32
    %mul3A_0 = arith.muli %arg0, %mul3A : i32
    %add3A = arith.addi %mul3A_0, %arg1 : i32
    %mul3A_1 = arith.constant 1568 : i32
    %mul3A_2 = arith.muli %add3A, %mul3A_1 : i32
    %eq3A = arith.constant 31 : i32
    %eq3A_3 = arith.cmpi eq, %add3A, %eq3A : i32
    %not3A = arith.constant true
    %not3A_4 = arith.xori %eq3A_3, %not3A : i1
    %convert_element_type3A = arith.extui %not3A_4 : i1 to i32
    %cond3A = arith.constant 0 : i32
    %cond3A_5 = arith.cmpi ne, %convert_element_type3A, %cond3A : i32
    scf.if %cond3A_5 {
      "tpu.region"() ({
        %run_scoped3A = tpu.sem_alloc : memref<!tpu.dma_semaphore, #tpu.memory_space<semaphore_mem>>
        %dma_start3A = tpu.memref_slice %arg2[%mul3A_2] : memref<50000xi32, #tpu.memory_space<hbm>> -> memref<1568xi32, #tpu.memory_space<hbm>>
        %dma_start3A_32 = tpu.memref_slice %arg2[%mul3A_2] : memref<50000xi32, #tpu.memory_space<hbm>> -> memref<1568xi32, #tpu.memory_space<hbm>>
        tpu.enqueue_dma source(%dma_start3A_32 : memref<1568xi32, #tpu.memory_space<hbm>>) target(%arg4 : memref<1568xi32, #tpu.memory_space<vmem>>) target_semaphore(%run_scoped3A : memref<!tpu.dma_semaphore, #tpu.memory_space<semaphore_mem>>)
        %dma_wait3A = tpu.memref_slice %arg2[%mul3A_2] : memref<50000xi32, #tpu.memory_space<hbm>> -> memref<1568xi32, #tpu.memory_space<hbm>>
        %dma_wait3A_33 = tpu.memref_slice %arg2[%mul3A_2] : memref<50000xi32, #tpu.memory_space<hbm>> -> memref<1568xi32, #tpu.memory_space<hbm>>
        tpu.wait_dma2 semaphore(%run_scoped3A : memref<!tpu.dma_semaphore, #tpu.memory_space<semaphore_mem>>) src(%dma_wait3A_33 : memref<1568xi32, #tpu.memory_space<hbm>>) dst(%arg4 : memref<1568xi32, #tpu.memory_space<vmem>>)
        tpu.yield
      }) : () -> ()
    } else {
    }
    %convert_element_type3A_6 = arith.extui %eq3A_3 : i1 to i32
    %cond3A_7 = arith.constant 0 : i32
    %cond3A_8 = arith.cmpi ne, %convert_element_type3A_6, %cond3A_7 : i32
    scf.if %cond3A_8 {
      "tpu.region"() ({
        %run_scoped3A = tpu.sem_alloc : memref<!tpu.dma_semaphore, #tpu.memory_space<semaphore_mem>>
        %dma_start3A = arith.constant 0 : i32
        %dma_start3A_32 = tpu.memref_slice %arg4[%dma_start3A] : memref<1568xi32, #tpu.memory_space<vmem>> -> memref<1392xi32, #tpu.memory_space<vmem>>
        %dma_start3A_33 = arith.constant 48608 : i32
        %dma_start3A_34 = tpu.memref_slice %arg2[%dma_start3A_33] : memref<50000xi32, #tpu.memory_space<hbm>> -> memref<1392xi32, #tpu.memory_space<hbm>>
        %dma_start3A_35 = arith.constant 0 : i32
        %dma_start3A_36 = tpu.memref_slice %arg4[%dma_start3A_35] : memref<1568xi32, #tpu.memory_space<vmem>> -> memref<1392xi32, #tpu.memory_space<vmem>>
        %dma_start3A_37 = arith.constant 48608 : i32
        %dma_start3A_38 = tpu.memref_slice %arg2[%dma_start3A_37] : memref<50000xi32, #tpu.memory_space<hbm>> -> memref<1392xi32, #tpu.memory_space<hbm>>
        tpu.enqueue_dma source(%dma_start3A_38 : memref<1392xi32, #tpu.memory_space<hbm>>) target(%dma_start3A_36 : memref<1392xi32, #tpu.memory_space<vmem>>) target_semaphore(%run_scoped3A : memref<!tpu.dma_semaphore, #tpu.memory_space<semaphore_mem>>)
        %dma_wait3A = arith.constant 0 : i32
        %dma_wait3A_39 = tpu.memref_slice %arg4[%dma_wait3A] : memref<1568xi32, #tpu.memory_space<vmem>> -> memref<1392xi32, #tpu.memory_space<vmem>>
        %dma_wait3A_40 = arith.constant 48608 : i32
        %dma_wait3A_41 = tpu.memref_slice %arg2[%dma_wait3A_40] : memref<50000xi32, #tpu.memory_space<hbm>> -> memref<1392xi32, #tpu.memory_space<hbm>>
        %dma_wait3A_42 = arith.constant 0 : i32
        %dma_wait3A_43 = tpu.memref_slice %arg4[%dma_wait3A_42] : memref<1568xi32, #tpu.memory_space<vmem>> -> memref<1392xi32, #tpu.memory_space<vmem>>
        %dma_wait3A_44 = arith.constant 48608 : i32
        %dma_wait3A_45 = tpu.memref_slice %arg2[%dma_wait3A_44] : memref<50000xi32, #tpu.memory_space<hbm>> -> memref<1392xi32, #tpu.memory_space<hbm>>
        tpu.wait_dma2 semaphore(%run_scoped3A : memref<!tpu.dma_semaphore, #tpu.memory_space<semaphore_mem>>) src(%dma_wait3A_45 : memref<1392xi32, #tpu.memory_space<hbm>>) dst(%dma_wait3A_43 : memref<1392xi32, #tpu.memory_space<vmem>>)
        tpu.yield
      }) : () -> ()
    } else {
    }
    %broadcast_in_dim3A = arith.constant 0.000000e+00 : f32
    %broadcast_in_dim3A_9 = vector.broadcast %broadcast_in_dim3A : f32 to vector<16xf32>
    %swap3A = arith.constant 0 : index
    %swap3A_10 = tpu.vector_load %arg5[%swap3A] {strides = array<i32>} : memref<64xf32, #tpu.memory_space<vmem>>, vector<16xf32>,
    tpu.vector_store %arg5[%swap3A], %broadcast_in_dim3A_9 {strides = array<i32>} : memref<64xf32, #tpu.memory_space<vmem>>, vector<16xf32>,
    %swap3A_11 = arith.constant 16 : index
    %swap3A_12 = tpu.vector_load %arg5[%swap3A_11] {strides = array<i32>} : memref<64xf32, #tpu.memory_space<vmem>>, vector<16xf32>,
    tpu.vector_store %arg5[%swap3A_11], %broadcast_in_dim3A_9 {strides = array<i32>} : memref<64xf32, #tpu.memory_space<vmem>>, vector<16xf32>,
    %swap3A_13 = arith.constant 32 : index
    %swap3A_14 = tpu.vector_load %arg5[%swap3A_13] {strides = array<i32>} : memref<64xf32, #tpu.memory_space<vmem>>, vector<16xf32>,
    tpu.vector_store %arg5[%swap3A_13], %broadcast_in_dim3A_9 {strides = array<i32>} : memref<64xf32, #tpu.memory_space<vmem>>, vector<16xf32>,
    %swap3A_15 = arith.constant 48 : index
    %swap3A_16 = tpu.vector_load %arg5[%swap3A_15] {strides = array<i32>} : memref<64xf32, #tpu.memory_space<vmem>>, vector<16xf32>,
    tpu.vector_store %arg5[%swap3A_15], %broadcast_in_dim3A_9 {strides = array<i32>} : memref<64xf32, #tpu.memory_space<vmem>>, vector<16xf32>,
    %broadcast_in_dim3A_17 = arith.constant 1.000000e+00 : f32
    %broadcast_in_dim3A_18 = vector.broadcast %broadcast_in_dim3A_17 : f32 to vector<16xf32>
    %select_n3A = arith.constant 98 : i32
    %select_n3A_19 = arith.constant 87 : i32
    %select_n3A_20 = arith.select %eq3A_3, %select_n3A_19, %select_n3A : i32
    %while3A = arith.constant 0 : i32
    %while3A_21 = arith.constant 0 : i32
    %while3A_22 = arith.subi %select_n3A_20, %while3A_21 : i32
    %while3A_23 = arith.addi %while3A_21, %while3A_22 : i32
    %while3A_24 = arith.constant 1 : i32
    %while3A_25 = arith.divsi %while3A_22, %while3A_24 : i32
    %while3A_26 = arith.muli %while3A_25, %while3A_24 : i32
    %while3A_27 = arith.addi %while3A_21, %while3A_26 : i32
    %while3A_28 = arith.constant 1 : i32
    scf.for %while3A_32 = %while3A_21 to %while3A_27 step %while3A_28  : i32 {
      %mul3A_33 = arith.constant 16 : i32
      %mul3A_34 = arith.muli %while3A_32, %mul3A_33 : i32
      %get3A = arith.index_cast %mul3A_34 : i32 to index
      %get3A_35 = tpu.vector_load %arg4[%get3A] {strides = array<i32>} : memref<1568xi32, #tpu.memory_space<vmem>>, vector<16xi32>,
      tpu.vector_store_idx %arg5[%get3A_35], %broadcast_in_dim3A_18 {add = true} : memref<64xf32, #tpu.memory_space<vmem>>[vector<16xi32>], vector<16xf32>,
    }
    %while3A_29 = arith.constant 1 : i32
    scf.for %while3A_32 = %while3A_27 to %while3A_23 step %while3A_29  : i32 {
      %mul3A_33 = arith.constant 16 : i32
      %mul3A_34 = arith.muli %while3A_32, %mul3A_33 : i32
      %get3A = arith.index_cast %mul3A_34 : i32 to index
      %get3A_35 = tpu.vector_load %arg4[%get3A] {strides = array<i32>} : memref<1568xi32, #tpu.memory_space<vmem>>, vector<16xi32>,
      tpu.vector_store_idx %arg5[%get3A_35], %broadcast_in_dim3A_18 {add = true} : memref<64xf32, #tpu.memory_space<vmem>>[vector<16xi32>], vector<16xf32>,
    }
    %mul3A_30 = arith.constant 64 : i32
    %mul3A_31 = arith.muli %add3A, %mul3A_30 : i32
    "tpu.region"() ({
      %run_scoped3A = tpu.sem_alloc : memref<!tpu.dma_semaphore, #tpu.memory_space<semaphore_mem>>
      %dma_start3A = tpu.memref_slice %arg3[%mul3A_31] : memref<2048xf32, #tpu.memory_space<hbm>> -> memref<64xf32, #tpu.memory_space<hbm>>
      %dma_start3A_32 = tpu.memref_slice %arg3[%mul3A_31] : memref<2048xf32, #tpu.memory_space<hbm>> -> memref<64xf32, #tpu.memory_space<hbm>>
      tpu.enqueue_dma source(%arg5 : memref<64xf32, #tpu.memory_space<vmem>>) target(%dma_start3A_32 : memref<64xf32, #tpu.memory_space<hbm>>) target_semaphore(%run_scoped3A : memref<!tpu.dma_semaphore, #tpu.memory_space<semaphore_mem>>)
      %dma_wait3A = tpu.memref_slice %arg3[%mul3A_31] : memref<2048xf32, #tpu.memory_space<hbm>> -> memref<64xf32, #tpu.memory_space<hbm>>
      %dma_wait3A_33 = tpu.memref_slice %arg3[%mul3A_31] : memref<2048xf32, #tpu.memory_space<hbm>> -> memref<64xf32, #tpu.memory_space<hbm>>
      tpu.wait_dma2 semaphore(%run_scoped3A : memref<!tpu.dma_semaphore, #tpu.memory_space<semaphore_mem>>) src(%arg5 : memref<64xf32, #tpu.memory_space<vmem>>) dst(%dma_wait3A_33 : memref<64xf32, #tpu.memory_space<hbm>>)
      tpu.yield
    }) : () -> ()
    return
  }
}

module attributes {stable_mosaic.version = 14 : i64} {
  func.func @_tc_body(%arg0: i32, %arg1: memref<2048x1024xf32, #tpu.memory_space<vmem>>, %arg2: memref<2048xi32, #tpu.memory_space<vmem>>, %arg3: memref<2x1024xf32, #tpu.memory_space<vmem>>, %arg4: memref<2x64xf32, #tpu.memory_space<vmem>>) attributes {dimension_semantics = [#tpu.dimension_semantics<arbitrary>], iteration_bounds = array<i64: 25>, scalar_prefetch = 0 : i64, scratch_operands = 0 : i64, tpu.core_type = #tpu.core_type<tc>, window_params = [{transform_indices = @transform_0, window_bounds = array<i64: 2048, 1024>}, {transform_indices = @transform_1, window_bounds = array<i64: 2048>}, {pipeline_mode = #tpu.pipeline_mode<synchronous>, transform_indices = @transform_2, window_bounds = array<i64: 2, 1024>}, {pipeline_mode = #tpu.pipeline_mode<synchronous>, transform_indices = @transform_3, window_bounds = array<i64: 2, 64>}]} {
    %eq3A = arith.constant 0 : i32
    %eq3A_0 = arith.cmpi eq, %arg0, %eq3A : i32
    %convert_element_type3A = arith.extui %eq3A_0 : i1 to i32
    %cond3A = arith.constant 0 : i32
    %cond3A_1 = arith.cmpi ne, %convert_element_type3A, %cond3A : i32
    scf.if %cond3A_1 {
      %broadcast_in_dim3A_30 = arith.constant 0.000000e+00 : f32
      %broadcast_in_dim3A_31 = vector.broadcast %broadcast_in_dim3A_30 : f32 to vector<2x64xf32>
      %swap3A_32 = arith.constant 0 : index
      %swap3A_33 = arith.constant 0 : index
      %swap3A_34 = vector.load %arg4[%swap3A_32, %swap3A_33] : memref<2x64xf32, #tpu.memory_space<vmem>>, vector<2x64xf32>
      tpu.vector_store %arg4[%swap3A_32, %swap3A_33], %broadcast_in_dim3A_31 {strides = array<i32>} : memref<2x64xf32, #tpu.memory_space<vmem>>, vector<2x64xf32>,
    } else {
    }
    %get3A = arith.constant 0 : index
    %get3A_2 = arith.constant 0 : index
    %get3A_3 = vector.load %arg3[%get3A, %get3A_2] : memref<2x1024xf32, #tpu.memory_space<vmem>>, vector<2x1024xf32>
    %get3A_4 = arith.constant 0 : index
    %get3A_5 = arith.constant 0 : index
    %get3A_6 = vector.load %arg1[%get3A_4, %get3A_5] : memref<2048x1024xf32, #tpu.memory_space<vmem>>, vector<2048x1024xf32>
    %dot_general3A = arith.constant dense<0.000000e+00> : vector<2x2048xf32>
    %dot_general3A_7 = tpu.matmul %get3A_3, %get3A_6, %dot_general3A {dimension_numbers = #tpu.dot_dimension_numbers<[1], [1], [0], [0], [0, 0, 1, 0], [], []>, transpose_lhs_hint = false} : vector<2x1024xf32>, vector<2048x1024xf32>, vector<2x2048xf32> -> vector<2x2048xf32>
    %iota3A = tpu.iota {dimensions = array<i32: 1>} : vector<1x2048xi32>
    %mul3A = arith.constant 2048 : i32
    %mul3A_8 = arith.muli %arg0, %mul3A : i32
    %add3A = vector.broadcast %mul3A_8 : i32 to vector<1x2048xi32>
    %add3A_9 = arith.addi %iota3A, %add3A : vector<1x2048xi32>
    %lt3A = arith.constant 50000 : i32
    %lt3A_10 = vector.broadcast %lt3A : i32 to vector<1x2048xi32>
    %lt3A_11 = arith.cmpi slt, %add3A_9, %lt3A_10 : vector<1x2048xi32>
    %jit3A = arith.constant 0.000000e+00 : f32
    %broadcast_in_dim3A = vector.shape_cast %lt3A_11 : vector<1x2048xi1> to vector<1x2048xi1>
    %broadcast_in_dim3A_12 = vector.broadcast %broadcast_in_dim3A : vector<1x2048xi1> to vector<2x2048xi1>
    %broadcast_in_dim3A_13 = vector.broadcast %jit3A : f32 to vector<2x2048xf32>
    %select_n3A = arith.select %broadcast_in_dim3A_12, %dot_general3A_7, %broadcast_in_dim3A_13 : vector<2x2048xi1>, vector<2x2048xf32>
    %get3A_14 = arith.constant 0 : index
    %get3A_15 = vector.load %arg2[%get3A_14] : memref<2048xi32, #tpu.memory_space<vmem>>, vector<2048xi32>
    %broadcast_in_dim3A_16 = vector.shape_cast %get3A_15 : vector<2048xi32> to vector<1x2048xi32>
    %iota3A_17 = tpu.iota {dimensions = array<i32: 0>} : vector<64x2048xi32>
    %eq3A_18 = vector.broadcast %broadcast_in_dim3A_16 : vector<1x2048xi32> to vector<64x2048xi32>
    %eq3A_19 = arith.cmpi eq, %eq3A_18, %iota3A_17 : vector<64x2048xi32>
    %convert_element_type3A_20 = arith.extui %eq3A_19 : vector<64x2048xi1> to vector<64x2048xi32>
    %convert_element_type3A_21 = arith.sitofp %convert_element_type3A_20 : vector<64x2048xi32> to vector<64x2048xf32>
    %dot_general3A_22 = arith.constant dense<0.000000e+00> : vector<2x64xf32>
    %dot_general3A_23 = tpu.matmul %select_n3A, %convert_element_type3A_21, %dot_general3A_22 {dimension_numbers = #tpu.dot_dimension_numbers<[1], [1], [0], [0], [0, 0, 1, 0], [], []>, transpose_lhs_hint = false} : vector<2x2048xf32>, vector<64x2048xf32>, vector<2x64xf32> -> vector<2x64xf32>
    %get3A_24 = arith.constant 0 : index
    %get3A_25 = arith.constant 0 : index
    %get3A_26 = vector.load %arg4[%get3A_24, %get3A_25] : memref<2x64xf32, #tpu.memory_space<vmem>>, vector<2x64xf32>
    %add3A_27 = arith.addf %get3A_26, %dot_general3A_23 : vector<2x64xf32>
    %swap3A = arith.constant 0 : index
    %swap3A_28 = arith.constant 0 : index
    %swap3A_29 = vector.load %arg4[%swap3A, %swap3A_28] : memref<2x64xf32, #tpu.memory_space<vmem>>, vector<2x64xf32>
    tpu.vector_store %arg4[%swap3A, %swap3A_28], %add3A_27 {strides = array<i32>} : memref<2x64xf32, #tpu.memory_space<vmem>>, vector<2x64xf32>,
    return
  }
  func.func @transform_0(%arg0: i32) -> (i32, i32) {
    %c0_i32 = arith.constant 0 : i32
    %c0_i32_0 = arith.constant 0 : i32
    return %arg0, %c0_i32 : i32, i32
  }
  func.func @transform_1(%arg0: i32) -> i32 {
    %c0_i32 = arith.constant 0 : i32
    return %arg0 : i32
  }
  func.func @transform_2(%arg0: i32) -> (i32, i32) {
    %c0_i32 = arith.constant 0 : i32
    %c0_i32_0 = arith.constant 0 : i32
    %c0_i32_1 = arith.constant 0 : i32
    return %c0_i32, %c0_i32_0 : i32, i32
  }
  func.func @transform_3(%arg0: i32) -> (i32, i32) {
    %c0_i32 = arith.constant 0 : i32
    %c0_i32_0 = arith.constant 0 : i32
    %c0_i32_1 = arith.constant 0 : i32
    return %c0_i32, %c0_i32_0 : i32, i32
  }
}

module attributes {stable_mosaic.version = 14 : i64} {
  func.func @_combine_body(%arg0: memref<2048xf32, #tpu.memory_space<vmem>>, %arg1: memref<2x64xf32, #tpu.memory_space<vmem>>, %arg2: memref<2x1xf32, #tpu.memory_space<vmem>>, %arg3: memref<2x64xf32, #tpu.memory_space<vmem>>) attributes {dimension_semantics = [], scalar_prefetch = 0 : i64, scratch_operands = 0 : i64, tpu.core_type = #tpu.core_type<tc>} {
    %get3A = arith.constant 0 : index
    %get3A_0 = vector.load %arg0[%get3A] : memref<2048xf32, #tpu.memory_space<vmem>>, vector<64xf32>
    %get3A_1 = arith.constant 64 : index
    %get3A_2 = vector.load %arg0[%get3A_1] : memref<2048xf32, #tpu.memory_space<vmem>>, vector<64xf32>
    %add3A = arith.addf %get3A_0, %get3A_2 : vector<64xf32>
    %get3A_3 = arith.constant 128 : index
    %get3A_4 = vector.load %arg0[%get3A_3] : memref<2048xf32, #tpu.memory_space<vmem>>, vector<64xf32>
    %add3A_5 = arith.addf %add3A, %get3A_4 : vector<64xf32>
    %get3A_6 = arith.constant 192 : index
    %get3A_7 = vector.load %arg0[%get3A_6] : memref<2048xf32, #tpu.memory_space<vmem>>, vector<64xf32>
    %add3A_8 = arith.addf %add3A_5, %get3A_7 : vector<64xf32>
    %get3A_9 = arith.constant 256 : index
    %get3A_10 = vector.load %arg0[%get3A_9] : memref<2048xf32, #tpu.memory_space<vmem>>, vector<64xf32>
    %add3A_11 = arith.addf %add3A_8, %get3A_10 : vector<64xf32>
    %get3A_12 = arith.constant 320 : index
    %get3A_13 = vector.load %arg0[%get3A_12] : memref<2048xf32, #tpu.memory_space<vmem>>, vector<64xf32>
    %add3A_14 = arith.addf %add3A_11, %get3A_13 : vector<64xf32>
    %get3A_15 = arith.constant 384 : index
    %get3A_16 = vector.load %arg0[%get3A_15] : memref<2048xf32, #tpu.memory_space<vmem>>, vector<64xf32>
    %add3A_17 = arith.addf %add3A_14, %get3A_16 : vector<64xf32>
    %get3A_18 = arith.constant 448 : index
    %get3A_19 = vector.load %arg0[%get3A_18] : memref<2048xf32, #tpu.memory_space<vmem>>, vector<64xf32>
    %add3A_20 = arith.addf %add3A_17, %get3A_19 : vector<64xf32>
    %get3A_21 = arith.constant 512 : index
    %get3A_22 = vector.load %arg0[%get3A_21] : memref<2048xf32, #tpu.memory_space<vmem>>, vector<64xf32>
    %add3A_23 = arith.addf %add3A_20, %get3A_22 : vector<64xf32>
    %get3A_24 = arith.constant 576 : index
    %get3A_25 = vector.load %arg0[%get3A_24] : memref<2048xf32, #tpu.memory_space<vmem>>, vector<64xf32>
    %add3A_26 = arith.addf %add3A_23, %get3A_25 : vector<64xf32>
    %get3A_27 = arith.constant 640 : index
    %get3A_28 = vector.load %arg0[%get3A_27] : memref<2048xf32, #tpu.memory_space<vmem>>, vector<64xf32>
    %add3A_29 = arith.addf %add3A_26, %get3A_28 : vector<64xf32>
    %get3A_30 = arith.constant 704 : index
    %get3A_31 = vector.load %arg0[%get3A_30] : memref<2048xf32, #tpu.memory_space<vmem>>, vector<64xf32>
    %add3A_32 = arith.addf %add3A_29, %get3A_31 : vector<64xf32>
    %get3A_33 = arith.constant 768 : index
    %get3A_34 = vector.load %arg0[%get3A_33] : memref<2048xf32, #tpu.memory_space<vmem>>, vector<64xf32>
    %add3A_35 = arith.addf %add3A_32, %get3A_34 : vector<64xf32>
    %get3A_36 = arith.constant 832 : index
    %get3A_37 = vector.load %arg0[%get3A_36] : memref<2048xf32, #tpu.memory_space<vmem>>, vector<64xf32>
    %add3A_38 = arith.addf %add3A_35, %get3A_37 : vector<64xf32>
    %get3A_39 = arith.constant 896 : index
    %get3A_40 = vector.load %arg0[%get3A_39] : memref<2048xf32, #tpu.memory_space<vmem>>, vector<64xf32>
    %add3A_41 = arith.addf %add3A_38, %get3A_40 : vector<64xf32>
    %get3A_42 = arith.constant 960 : index
    %get3A_43 = vector.load %arg0[%get3A_42] : memref<2048xf32, #tpu.memory_space<vmem>>, vector<64xf32>
    %add3A_44 = arith.addf %add3A_41, %get3A_43 : vector<64xf32>
    %get3A_45 = arith.constant 1024 : index
    %get3A_46 = vector.load %arg0[%get3A_45] : memref<2048xf32, #tpu.memory_space<vmem>>, vector<64xf32>
    %add3A_47 = arith.addf %add3A_44, %get3A_46 : vector<64xf32>
    %get3A_48 = arith.constant 1088 : index
    %get3A_49 = vector.load %arg0[%get3A_48] : memref<2048xf32, #tpu.memory_space<vmem>>, vector<64xf32>
    %add3A_50 = arith.addf %add3A_47, %get3A_49 : vector<64xf32>
    %get3A_51 = arith.constant 1152 : index
    %get3A_52 = vector.load %arg0[%get3A_51] : memref<2048xf32, #tpu.memory_space<vmem>>, vector<64xf32>
    %add3A_53 = arith.addf %add3A_50, %get3A_52 : vector<64xf32>
    %get3A_54 = arith.constant 1216 : index
    %get3A_55 = vector.load %arg0[%get3A_54] : memref<2048xf32, #tpu.memory_space<vmem>>, vector<64xf32>
    %add3A_56 = arith.addf %add3A_53, %get3A_55 : vector<64xf32>
    %get3A_57 = arith.constant 1280 : index
    %get3A_58 = vector.load %arg0[%get3A_57] : memref<2048xf32, #tpu.memory_space<vmem>>, vector<64xf32>
    %add3A_59 = arith.addf %add3A_56, %get3A_58 : vector<64xf32>
    %get3A_60 = arith.constant 1344 : index
    %get3A_61 = vector.load %arg0[%get3A_60] : memref<2048xf32, #tpu.memory_space<vmem>>, vector<64xf32>
    %add3A_62 = arith.addf %add3A_59, %get3A_61 : vector<64xf32>
    %get3A_63 = arith.constant 1408 : index
    %get3A_64 = vector.load %arg0[%get3A_63] : memref<2048xf32, #tpu.memory_space<vmem>>, vector<64xf32>
    %add3A_65 = arith.addf %add3A_62, %get3A_64 : vector<64xf32>
    %get3A_66 = arith.constant 1472 : index
    %get3A_67 = vector.load %arg0[%get3A_66] : memref<2048xf32, #tpu.memory_space<vmem>>, vector<64xf32>
    %add3A_68 = arith.addf %add3A_65, %get3A_67 : vector<64xf32>
    %get3A_69 = arith.constant 1536 : index
    %get3A_70 = vector.load %arg0[%get3A_69] : memref<2048xf32, #tpu.memory_space<vmem>>, vector<64xf32>
    %add3A_71 = arith.addf %add3A_68, %get3A_70 : vector<64xf32>
    %get3A_72 = arith.constant 1600 : index
    %get3A_73 = vector.load %arg0[%get3A_72] : memref<2048xf32, #tpu.memory_space<vmem>>, vector<64xf32>
    %add3A_74 = arith.addf %add3A_71, %get3A_73 : vector<64xf32>
    %get3A_75 = arith.constant 1664 : index
    %get3A_76 = vector.load %arg0[%get3A_75] : memref<2048xf32, #tpu.memory_space<vmem>>, vector<64xf32>
    %add3A_77 = arith.addf %add3A_74, %get3A_76 : vector<64xf32>
    %get3A_78 = arith.constant 1728 : index
    %get3A_79 = vector.load %arg0[%get3A_78] : memref<2048xf32, #tpu.memory_space<vmem>>, vector<64xf32>
    %add3A_80 = arith.addf %add3A_77, %get3A_79 : vector<64xf32>
    %get3A_81 = arith.constant 1792 : index
    %get3A_82 = vector.load %arg0[%get3A_81] : memref<2048xf32, #tpu.memory_space<vmem>>, vector<64xf32>
    %add3A_83 = arith.addf %add3A_80, %get3A_82 : vector<64xf32>
    %get3A_84 = arith.constant 1856 : index
    %get3A_85 = vector.load %arg0[%get3A_84] : memref<2048xf32, #tpu.memory_space<vmem>>, vector<64xf32>
    %add3A_86 = arith.addf %add3A_83, %get3A_85 : vector<64xf32>
    %get3A_87 = arith.constant 1920 : index
    %get3A_88 = vector.load %arg0[%get3A_87] : memref<2048xf32, #tpu.memory_space<vmem>>, vector<64xf32>
    %add3A_89 = arith.addf %add3A_86, %get3A_88 : vector<64xf32>
    %get3A_90 = arith.constant 1984 : index
    %get3A_91 = vector.load %arg0[%get3A_90] : memref<2048xf32, #tpu.memory_space<vmem>>, vector<64xf32>
    %add3A_92 = arith.addf %add3A_89, %get3A_91 : vector<64xf32>
    %broadcast_in_dim3A = vector.shape_cast %add3A_92 : vector<64xf32> to vector<1x64xf32>
    %get3A_93 = arith.constant 0 : index
    %get3A_94 = arith.constant 0 : index
    %get3A_95 = vector.load %arg1[%get3A_93, %get3A_94] : memref<2x64xf32, #tpu.memory_space<vmem>>, vector<2x64xf32>
    %get3A_96 = arith.constant 0 : index
    %get3A_97 = arith.constant 0 : index
    %get3A_98 = vector.load %arg2[%get3A_96, %get3A_97] : memref<2x1xf32, #tpu.memory_space<vmem>>, vector<2x1xf32>
    %mul3A = vector.broadcast %broadcast_in_dim3A : vector<1x64xf32> to vector<2x64xf32>
    %mul3A_99 = vector.broadcast %get3A_98 : vector<2x1xf32> to vector<2x64xf32>
    %mul3A_100 = arith.mulf %mul3A, %mul3A_99 : vector<2x64xf32>
    %add3A_101 = arith.addf %get3A_95, %mul3A_100 : vector<2x64xf32>
    %max3A = arith.constant 1.000000e+00 : f32
    %max3A_102 = vector.broadcast %max3A : f32 to vector<1x64xf32>
    %max3A_103 = arith.maximumf %broadcast_in_dim3A, %max3A_102 : vector<1x64xf32>
    %div3A = vector.broadcast %max3A_103 : vector<1x64xf32> to vector<2x64xf32>
    %div3A_104 = arith.divf %add3A_101, %div3A : vector<2x64xf32>
    %swap3A = arith.constant 0 : index
    %swap3A_105 = arith.constant 0 : index
    %swap3A_106 = vector.load %arg3[%swap3A, %swap3A_105] : memref<2x64xf32, #tpu.memory_space<vmem>>, vector<2x64xf32>
    tpu.vector_store %arg3[%swap3A, %swap3A_105], %div3A_104 {strides = array<i32>} : memref<2x64xf32, #tpu.memory_space<vmem>>, vector<2x64xf32>,
    return
  }
}

</mosaic_0001>

<sc_bundles>
// kernel: kernel.5.cloned.1.call-start
scs
__scs_entry_jumppad:
0x0: {  	(pc) =	sbr.rel $0x88, $3  }
0x1: {  	(tag) =	ssettag $0x0;
	lr =	simm.s32 $0x1  }
0x2: {  	[smem:$0x3F9D] =	sst lr;
	_ =	strace $0xD0000000  }
0x3: {  	_ = 	snop  }
0x4: {  	_ = 	snop  }
0x5: {  	_ = 	snop  }
0x6: {  	_ = 	snop  }
0x7: {  	_ = 	snop  }
__scs_overlays_trampoline_lowered:
0x8: {  	[smem:$0x3FAC] =	sst s0  }
0x9: {  	[smem:$0x3FAD] =	sst s1  }
0xa: {  	[smem:$0x3FAE] =	sst s2  }
0xb: {  	[smem:$0x3FAF] =	sst s3  }
0xc: {  	[smem:$0x3FB0] =	sst s4  }
0xd: {  	[smem:$0x3FB1] =	sst s5  }
0xe: {  	[smem:$0x3FB2] =	sst s6  }
0xf: {  	[smem:$0x3FB3] =	sst s7  }
0x10: {  	[smem:$0x3FB4] =	sst s8  }
0x11: {  	[smem:$0x3FB5] =	sst s9;
	s0 =	simm.s32 @!p0 $0x0  }
0x12: {  	s1 =	sld [smem:$0x3F9B];
	s0 =	simm.s32 @p0 $0x1  }
0x13: {  	[smem:$0x3FB6] =	sst s0;
	s0 =	simm.s32 @!p1 $0x0  }
0x14: {  	s2 =	sld [smem:$0x3F9A];
	s0 =	simm.s32 @p1 $0x1  }
0x15: {  	[smem:$0x3FB7] =	sst s0;
	s0 =	simm.s32 @!p2 $0x0  }
0x16: {  	s3 =	sld [smem:$0x3FDB];
	s0 =	simm.s32 @p2 $0x1  }
0x17: {  	s4 =	simm.s32 $0x1BF5;
	[smem:$0x3FB9] =	sst s0  }
0x18: {  	s0 =	sld [smem:$0x3F9C];
	_ =	swait.ge [sflag:s4], $0x0  }
0x19: {  	s7 =	sld [smem:$0x3F9D]  }
0x1a: {  	s8 =	sadd.s32 $0xFFFFE003, lr  }
0x1b: {  	s9 =	sadd.s32 $0xFFFFFEF7, lr;
	s5 =	simm.s32 $0xFFFFFFFF;
	p2 =	slt.u32 s8, $0xFFFFF086  }
0x1c: {  	p1 =	slt.u32 s9, $0xF7A;
	s5 =	simm.s32 @!p2 $0x0  }
0x1d: {  	s5 =	simm.s32 @p1 $0x1;
	p0 =	seq.s32 s7, s2  }
0x1e: {  	s7 =	smul.u32 @!p0 $0xF7A, s2;
	p2 =	seq.s32 @!p0 s5, $0x0  }
0x1f: {  	s9 =	smul.u32 $0xF7A, s1;
	s8 =	simm.s32 @!p0 $0x1BF5;
	p2 =	por !p2, p0  }
0x20: {  	[sflag:s8] =	ssyncset.s32 @!p0 $0xFFFFF086;
	s6 =	sadd.s32 @!p0 s3, s7;
	s7 =	simm.s32 @!p0 $0x108  }
0x21: {  	s3 =	sadd.s32 s3, s9;
	s6 =	sadd.s32 @!p0 $0x88, s6;
	s7 =	simm.s32 @p2 $0x1082  }
0x22: {  	[simem:s7], [sflag:s8] =	dma.local @!p0 [hbm:s6], $0xF7A  }
0x23: {  	s9 =	sor.u32 $0xD0000000, s2;
	s6 =	simm.s32 $0x108;
	_ =	swait.ge @!p0 [sflag:s8], $0x0  }
0x24: {  	s3 =	sadd.s32 $0x88, s3;
	s6 =	simm.s32 @!p1 $0x1082;
	[sflag:s4] =	ssyncset.s32 $0xFFFFF086  }
0x25: {  	[simem:s6], [sflag:s4] =	dma.local [hbm:s3], $0xF7A  }
0x26: {  	[smem:$0x3F9D] =	sst s1;
	(tag) =	ssettag s2;
	_ =	strace s9  }
0x27: {  	s1 =	sld [smem:$0x3FAD]  }
0x28: {  	s2 =	sld [smem:$0x3FAE]  }
0x29: {  	s4 =	sld [smem:$0x3FB0]  }
0x2a: {  	p0 =	seq.s32 s5, $0x0;
	s5 =	sld [smem:$0x3FB1]  }
0x2b: {  	s6 =	sld [smem:$0x3FB2]  }
0x2c: {  	s7 =	sld [smem:$0x3FB3]  }
0x2d: {  	s3 =	simm.s32 $0x108;
	s8 =	sld [smem:$0x3FB4]  }
0x2e: {  	s3 =	simm.s32 @!p0 $0x1082;
	s9 =	sld [smem:$0x3FB5]  }
0x2f: {  	lr =	sadd.s32 s0, s3;
	s0 =	sld [smem:$0x3FAC]  }
0x30: {  	s3 =	sld [smem:$0x3FAF]  }
0x31: {  	[smem:$0x3FB8] =	sst s10  }
0x32: {  	s10 =	sld [smem:$0x3FB6];
	_ =	sdelay $0x3  }
0x33: {  	p0 =	seq.s32 s10, $0x1;
	s10 =	sld [smem:$0x3FB8];
	_ =	sdelay $0x3  }
0x34: {  	[smem:$0x3FB8] =	sst s10  }
0x35: {  	s10 =	sld [smem:$0x3FB7];
	_ =	sdelay $0x3  }
0x36: {  	p1 =	seq.s32 s10, $0x1;
	s10 =	sld [smem:$0x3FB8];
	_ =	sdelay $0x3  }
0x37: {  	[smem:$0x3FB8] =	sst s10  }
0x38: {  	s10 =	sld [smem:$0x3FB9]  }
0x39: {  	_ = 	snop;
	(pc) =	sbr.ind lr, $3  }
0x3a: {  	_ = 	snop  }
0x3b: {  	_ = 	snop  }
0x3c: {  	p2 =	seq.s32 s10, $0x1;
	s10 =	sld [smem:$0x3FB8]  }
0x3d: {  	_ =	shalt  }
0x3e: {  	_ =	shalt  }
0x3f: {  	_ =	shalt  }
0x40: {  	_ =	shalt  }
0x41: {  	_ =	shalt  }
0x42: {  	_ =	shalt  }
0x43: {  	_ =	shalt  }
0x44: {  	_ =	shalt  }
0x45: {  	_ =	shalt  }
0x46: {  	_ =	shalt  }
0x47: {  	_ =	shalt  }
0x48: {  	_ =	shalt  }
0x49: {  	_ =	shalt  }
0x4a: {  	_ =	shalt  }
0x4b: {  	_ =	shalt  }
0x4c: {  	_ =	shalt  }
0x4d: {  	_ =	shalt  }
0x4e: {  	_ =	shalt  }
0x4f: {  	_ =	shalt  }
0x50: {  	_ =	shalt  }
0x51: {  	_ =	shalt  }
0x52: {  	_ =	shalt  }
0x53: {  	_ =	shalt  }
0x54: {  	_ =	shalt  }
0x55: {  	_ =	shalt  }
0x56: {  	_ =	shalt  }
0x57: {  	_ =	shalt  }
0x58: {  	_ =	shalt  }
0x59: {  	_ =	shalt  }
0x5a: {  	_ =	shalt  }
0x5b: {  	_ =	shalt  }
0x5c: {  	_ =	shalt  }
0x5d: {  	_ =	shalt  }
0x5e: {  	_ =	shalt  }
0x5f: {  	_ =	shalt  }
0x60: {  	_ =	shalt  }
0x61: {  	_ =	shalt  }
0x62: {  	_ =	shalt  }
0x63: {  	_ =	shalt  }
0x64: {  	_ =	shalt  }
0x65: {  	_ =	shalt  }
0x66: {  	_ =	shalt  }
0x67: {  	_ =	shalt  }
0x68: {  	_ =	shalt  }
0x69: {  	_ =	shalt  }
0x6a: {  	_ =	shalt  }
0x6b: {  	_ =	shalt  }
0x6c: {  	_ =	shalt  }
0x6d: {  	_ =	shalt  }
0x6e: {  	_ =	shalt  }
0x6f: {  	_ =	shalt  }
0x70: {  	_ =	shalt  }
0x71: {  	_ =	shalt  }
0x72: {  	_ =	shalt  }
0x73: {  	_ =	shalt  }
0x74: {  	_ =	shalt  }
0x75: {  	_ =	shalt  }
0x76: {  	_ =	shalt  }
0x77: {  	_ =	shalt  }
0x78: {  	_ =	shalt  }
0x79: {  	_ =	shalt  }
0x7a: {  	_ =	shalt  }
0x7b: {  	_ =	shalt  }
0x7c: {  	_ =	shalt  }
0x7d: {  	_ =	shalt  }
0x7e: {  	_ =	shalt  }
0x7f: {  	_ =	shalt  }
0x80: {  	_ =	shalt  }
0x81: {  	_ =	shalt  }
0x82: {  	_ =	shalt  }
0x83: {  	_ =	shalt  }
0x84: {  	_ =	shalt  }
0x85: {  	_ =	shalt  }
0x86: {  	_ =	shalt  }
0x87: {  	_ =	shalt  }
.Lfunc_end0:
.L_simem_size_0:
called_computation_lowered:
.L_overlay_start_0:
0x88: {  	s2 =	sld [smem:$0x3FD9]  }
0x89: {  	s3 =	sld [smem:$0x3FFE];
	_ =	sdelay $0x1  }
0x8a: {  	s1 =	srdreg.scid  }
0x8b: {  	s0 =	sand.u32 $0x1, s1  }
0x8c: {  	s17 =	sshll.u32 s0, $0xA;
	s2 =	sadd.s32 s3, s2  }
0x8d: {  	s2 =	sadd.s32 s2, s17  }
0x8e: {  	[smem:$0x3FC4] =	sst s2  }
0x8f: {  	_ = 	snop  }
0x90: {  	s2 =	sld [smem:$0x3FC8];
	(tm) =	ssettm $0x1  }
0x91: {  	s18 =	sld [smem:$0x3FFB];
	_ =	sdelay $0x3  }
0x92: {  	_ =	strace s18  }
0x93: {  	s3 =	sld [smem:$0x3FFC];
	_ =	sdelay $0x3  }
0x94: {  	_ =	strace s3  }
0x95: {  	s3 =	sld [smem:$0x3FFD];
	_ =	sdelay $0x3  }
0x96: {  	_ =	strace s3  }
0x97: {  	_ =	strace $0x8FFFFFFF  }
0x98: {  	s19 =	sld [smem:$0x3FDB];
	_ =	sdelay $0x1  }
0x99: {  	s4 =	simm.s32 $_scs_section_size  }
0x9a: {  	s5 =	simm.s32 $_size__tile_overlayer_lowered;
	s6 =	simm.s32 $_tile_overlayer_lowered  }
0x9b: {  	s22 =	simm.s32 $0x1BFF;
	s21 =	sshll.u32 s6, $0x1;
	s3 =	sadd.s32 s4, s19  }
0x9c: {  	s7 =	simm.s32 $0x0;
	s20 =	sshll.u32 s5, $0x1;
	s5 =	sadd.s32 s21, s3  }
0x9d: {  	[timem:s7], [sflag:s22] =	dma.local [hbm:s5], s20  }
0x9e: {  	_ =	swait.ge [sflag:s22], s20  }
0x9f: {  	s4 =	ssub.s32 $0x0, s20;
	[sflag:s22] =	ssyncset.done $0x0  }
0xa0: {  	[sflag:s22] =	ssyncadd.s32 s4;
	_ =	sdelay $0x1  }
0xa1: {  	s23 =	simm.s32 $0x1B8B  }
0xa2: {  	_ =	swait.ge [sflag:s23], $0x1  }
0xa3: {  	[sflag:s23] =	ssyncset.done $0x0  }
0xa4: {  	s25 =	simm.s32 $0x1B8E;
	s24 =	sld [smem:$0x3FFE];
	[sflag:s23] =	ssyncadd.s32 $0xFFFFFFFF  }
0xa5: {  	s26 =	simm.s32 $execute0_lowered;
	[smem:$0x3FD2] =	sst s25  }
0xa6: {  	s5 =	sshll.u32 s26, $0x1;
	_ =	strace $0x80000046;
	[dreg:$0x1] =	wrdreg $0xFFFFFFFF  }
0xa7: {  	s28 =	simm.s32 $_size_execute0_lowered;
	s3 =	sadd.s32 s3, s5;
	[dreg:$0x0] =	wrdreg $0x0  }
0xa8: {  	s5 =	sshll.u32 s28, $0x1;
	[dreg:$0x2] =	wrdreg s3  }
0xa9: {  	[dreg:$0x3] =	wrdreg s5  }
0xaa: {  	[dreg:$0x4] =	wrdreg $0xC0  }
0xab: {  	_ =	task [dreg:s7], $0x5FFFF  }
0xac: {  	[dreg:$0x1] =	wrdreg $0xFFFFFFFF  }
0xad: {  	[dreg:$0x0] =	wrdreg $0x60  }
0xae: {  	[dreg:$0x2] =	wrdreg s2  }
0xaf: {  	[dreg:$0x3] =	wrdreg s24  }
0xb0: {  	[dreg:$0x4] =	wrdreg $0x9  }
0xb1: {  	_ =	task.clear_ibuf [dreg:s7], $0x5FFFF;
	_ =	strace $0x90000046  }
0xb2: {  	s29 =	simm.s32 $0x9;
	_ =	strace $0x80000048  }
0xb3: {  	_ =	swait.ge [sflag:s29], $0x1  }
0xb4: {  	[sflag:s29] =	ssyncadd.s32 $0xFFFFFFFF  }
0xb5: {  	_ =	strace $0x90000048  }
0xb6: {  	_ =	sfence  }
0xb7: {  	s30 =	sld [smem:$0x0];
	_ =	sdelay $0x2  }
0xb8: {  	s31 =	sshll.u32 s1, $0xD;
	s1 =	sshrl.u32 s1, $0x2  }
0xb9: {  	s3 =	sand.u32 $0x4000, s31;
	s1 =	sadd.s32 s1, s30  }
0xba: {  	s0 =	sor.u32 s3, s0;
	s1 =	sshll.u32 s1, $0x11  }
0xbb: {  	s0 =	sor.u32 s1, s0  }
0xbc: {  	s0 =	sadd.s32 $0x8F2B, s0  }
0xbd: {  	[sflag:s0] =	ssyncadd.remote.s32 $0x1  }
0xbe: {  	_ =	sfence.sel $0xFFFF  }
0xbf: {  	[dreg:$0x0] =	wrdreg $0xFFFFFFFF;
	(pc) =	sbr.abs _section_cstart, $3  }
0xc0: {  	[dreg:$0x1] =	wrdreg $0xFFFFFFFF  }
0xc1: {  	_ =	task.clear_ibuf [dreg:s7], $0x2FFFF;
	_ =	strace $0x9FFFFFFF  }
0xc2: {  	(tm) =	ssettm $0x7FFFFFFF  }
0xc3: {  	_ =	shalt  }
tec
execute0_lowered:
.L_overlay_start_1:
0x0: {  	(tag) =	ssettag $0x1  }
0x1: {  	s4 =	rddreg [dreg:$0x0]  }
0x2: {  	s3 =	rddreg [dreg:$0x1]  }
0x3: {  	s1 =	srdreg.scid;
	s0 =	rddreg [dreg:$0x2]  }
0x4: {  	s2 =	simm.s32 $0x0;
	s5 =	sand.u32 $0x1, s1;
	s1 =	stileid.u32  }
0x5: {  	[smem:$0x7FF] =	sst s2;
	s6 =	sshll.u32 s5, $0x4;
	s5 =	ssub.s32 $0x2, s5  }
0x6: {  	_ =	strace $0x80000047;
	s7 =	sor.u32 s1, s6;
	s31 =	sshrl.u32 s5, $0x1  }
0x7: {  	s6 =	sshll.u32 s7, $0x3;
	s8 =	smul.u32 $0xC4, s7;
	s9 =	ssub.s32 s5, s31  }
0x8: {  	p0 =	seq.s32 s7, $0x1F;
	s7 =	simm.s32 $0x680;
	s6 =	sadd.s32 s6, s3  }
0x9: {  	s3 =	sadd.s32 s4, s8;
	s4 =	sadd.s32 $0x17BC, s4;
	s5 =	sadd.s32 $0xA00, s6  }
0xa: {  	v0 =	vimm.f32 $0.0e+00;
	v1 =	vimm.f32 $1.000000000e+00;
	s6 =	smax.u32 s9, $0x1;
	s8 =	simm.s32 $0x1;
	s9 =	simm.s32 $0x0  }
.LBB2_1:
0xb: {  	s10 =	simm.s32 @p0 $0x0  }
0xc: {  	[tilespmem:s10], [sflag:$0x1] =	stream.linear.gather @p0 [hbm4b:s4+s10], $0x570, $0x38;
	[tilespmem:$0x700] =	vst v63  }
0xd: {  	s10 =	simm.s32 @p0 $0x1  }
0xe: {  	_ =	swait.ge @p0 [sflag:s10], $0x570  }
0xf: {  	[sflag:s10] =	ssyncset.done @p0 $0x0  }
0x10: {  	[sflag:s10] =	ssyncadd.s32 @p0 $0xFFFFFA90;
	s10 =	simm.s32 @!p0 $0x0  }
0x11: {  	[tilespmem:s10], [sflag:$0x1] =	stream.linear.gather @!p0 [hbm4b:s3+s10], $0x620, $0x38;
	[tilespmem:$0x700] =	vst v63  }
0x12: {  	s10 =	simm.s32 @!p0 $0x1  }
0x13: {  	_ =	swait.ge @!p0 [sflag:s10], $0x620  }
0x14: {  	[sflag:s10] =	ssyncset.done @!p0 $0x0  }
0x15: {  	[sflag:s10] =	ssyncadd.s32 @!p0 $0xFFFFF9E0;
	s10 =	simm.s32 @!p0 $0x62  }
0x16: {  	s10 =	simm.s32 @p0 $0x57  }
0x17: {  	p1 =	sne.s32 s10, $0x1  }
.Ltmp0:
0x18: {  	[tilespmem:$0x680] =	vst v0;
	(pc) =	sbr.rel @!p1 .LBB2_3-.Ltmp0, $4  }
0x19: {  	[tilespmem:$0x690] =	vst v0  }
0x1a: {  	[tilespmem:$0x6A0] =	vst v0  }
0x1b: {  	[tilespmem:$0x6B0] =	vst v0  }
0x1c: {  	s11 =	simm.s32 $0x0;
	v2 =	vld [tilespmem:s2+$0x0];
	s10 =	sadd.s32 $0xFFFFFFFF, s10  }
.LBB2_2:
0x1d: {  	p1 =	sne.s32 s10, $0x1;
	_ =	sdelay $0x3  }
.Ltmp1:
0x1e: {  	(pc) =	sbr.rel @p1 .LBB2_2-.Ltmp1, $3  }
0x1f: {  	_ =	sdelay $0x1  }
0x20: {  	s11 =	sadd.s32 $0x10, s11;
	[tilespmem:v2+s7+$0x0] =	vst.idx.add.f32.msk $0xffff, v1  }
0x21: {  	s10 =	sadd.s32 $0xFFFFFFFF, s10;
	v2 =	vld [tilespmem:s11+$0x0]  }
.LBB2_3:
0x22: {  	_ =	sdelay $0x5  }
0x23: {  	s9 =	sadd.s32 $0x1, s9  }
0x24: {  	p1 =	sne.s32 s9, s6  }
.Ltmp2:
0x25: {  	[tilespmem:v2+s7+$0x0] =	vst.idx.add.f32.msk $0xffff, v1;
	(pc) =	sbr.rel @p1 .LBB2_1-.Ltmp2, $4  }
0x26: {  	[hbm4b:s5+s2] =	stream.linear.scatter [tilespmem:s7], [sflag:$0x1], $0x40, $0x38;
	[tilespmem:$0x700] =	vst v63  }
0x27: {  	_ =	swait.ge [sflag:s8], $0x40  }
0x28: {  	[sflag:s8] =	ssyncset.done $0x0  }
0x29: {  	[sflag:s8] =	ssyncadd.s32 $0xFFFFFFC0  }
0x2a: {  	_ =	sfence.sel $0x180000  }
0x2b: {  	[bflag:$0x0] =	sbarrier.arrive $0xFFFF  }
0x2c: {  	p0 =	sne.s32 s1, $0x0;
	_ =	strace $0x90000047  }
0x2d: {  	s0 =	sadd.s32 @!p0 $0x100000, s0;
	[bflag:$0x2] =	sbarrier.arrive $0xFFFF  }
0x2e: {  	[sflag:s0] =	ssyncadd.tile.s32 @!p0 $0x1;
	_ =	shalt  }
.Lfunc_end2:
_tile_overlayer_lowered:
.L_overlay_start_2:
0x2f: {  	(tag) =	ssettag $0x2  }
0x30: {  	s0 =	rddreg [dreg:$0x0];
	s2 =	stileid.u32  }
0x31: {  	s1 =	rddreg [dreg:$0x1];
	p0 =	sne.s32 s2, $0x0  }
0x32: {  	s3 =	rddreg [dreg:$0x2];
	[bflag:$0x3] =	sbarrier.arrive $0xFFFF;
	s2 =	simm.s32 @!p0 $0x1C01  }
0x33: {  	[timem:s3], [sflag:s2] =	dma.local @!p0 [hbm:s0], s1  }
0x34: {  	s0 =	simm.s32 @!p0 $0x1  }
0x35: {  	_ =	swait.ge @!p0 [sflag:s0], s1  }
0x36: {  	s1 =	ssub.s32 @!p0 $0x0, s1;
	[sflag:s0] =	ssyncset.done @!p0 $0x0  }
0x37: {  	[sflag:s0] =	ssyncadd.s32 @!p0 s1  }
0x38: {  	[bflag:$0x3] =	sbarrier.arrive $0xFFFF  }
0x39: {  	_ =	shalt  }

</sc_bundles>
